<compile_context>
chip_gen: v7x
topology: tpu7x:2x2x1
jax: 0.10.2.dev20260603
libtpu: 0.0.44.dev20260713+nightly
codegen_flags: <defaults>
</compile_context>

<pallas_src>
import functools

import jax
import jax.numpy as jnp
from jax import lax
from jax.experimental import pallas as pl
from jax.experimental.pallas import tpu as pltpu
from jax.experimental.pallas import tpu_sc as plsc


@functools.lru_cache(maxsize=None)
def _build_bcast_kernel(batch, seq_len, d_model, dtype_name):
    dtype = jnp.dtype(dtype_name)
    info = plsc.get_sparse_core_info()
    num_cores, num_subcores = info.num_cores, info.num_subcores
    num_workers = num_cores * num_subcores
    assert seq_len % num_workers == 0, seq_len
    rows_per_w = seq_len // num_workers

    mesh = plsc.VectorSubcoreMesh(core_axis_name="c", subcore_axis_name="s")

    @functools.partial(
        pl.kernel,
        mesh=mesh,
        out_type=jax.ShapeDtypeStruct((batch, seq_len, d_model), dtype),
        scratch_types=[
            pltpu.VMEM((seq_len // num_workers, d_model), dtype),
            pltpu.SemaphoreType.DMA,
        ],
    )
    def bcast(table_hbm, out_hbm, rows_v, sem):
        wid = lax.axis_index("s") * num_cores + lax.axis_index("c")
        base = wid * rows_per_w
        pltpu.sync_copy(table_hbm.at[pl.ds(base, rows_per_w)], rows_v)
        copies = [
            pltpu.async_copy(
                rows_v,
                out_hbm.at[(b + wid) % batch, pl.ds(base, rows_per_w)],
                sem,
            )
            for b in range(batch)
        ]
        for c in copies:
            c.wait()

    return bcast


def kernel(x, pos_table):
    batch, seq_len, d_model = x.shape
    fn = _build_bcast_kernel(batch, seq_len, d_model, str(pos_table.dtype))
    return fn(pos_table[:seq_len])

# --- scband reference (transcript-rebuilt; emitter-appended) ---
"""Pipeline reference for scband-learned-positional-encoder-61529701483310 (READ-ONLY COPY).

The authoritative reference and input builder live on the scoring server;
editing this copy changes nothing except your own understanding.
"""

import jax, jax.numpy as jnp
import numpy as np

D_MODEL = 1024
MAX_LEN = 2048

def setup_inputs(seed: int = 0) -> dict:
    key = jax.random.key(seed)
    k_x, k_tab = jax.random.split(key)
    x = jax.random.normal(k_x, (4, 2048, D_MODEL), dtype=jnp.float32)
    pos_table = jax.random.normal(k_tab, (MAX_LEN, D_MODEL), dtype=jnp.float32)
    return {"x": x, "pos_table": pos_table}

def reference(x, pos_table):
    batch_size, seq_len, _ = x.shape
    positions = jnp.arange(seq_len)[None, :]  # [1, seq_len]
    pos_embed = jnp.take(pos_table, positions, axis=0)  # [1, seq_len, d_model]
    pos_embed = jnp.broadcast_to(pos_embed, (batch_size, seq_len, pos_table.shape[-1]))
    return pos_embed

if __name__ == "__main__":
    import jax
    _d = setup_inputs()
    print(jax.jit(kernel)(*tuple(_d.values())))

</pallas_src>

<mosaic_0001>
#map = affine_map<(d0, d1) -> (0, 0)>
#map1 = affine_map<(d0, d1) -> (0, 0, 0)>
module attributes {stable_mosaic.version = 14 : i64} {
  func.func @bcast(%arg0: i32, %arg1: i32, %arg2: memref<2048x1024xf32, #tpu.memory_space<hbm>>, %arg3: memref<4x2048x1024xf32, #tpu.memory_space<hbm>>, %arg4: memref<64x1024xf32, #tpu.memory_space<vmem>>, %arg5: memref<!tpu.dma_semaphore, #tpu.memory_space<semaphore_mem>>) attributes {dimension_semantics = [#tpu.dimension_semantics<core_parallel>, #tpu.dimension_semantics<subcore_parallel>], iteration_bounds = array<i64: 2, 16>, scalar_prefetch = 0 : i64, scratch_operands = 2 : i64, tpu.core_type = #tpu.core_type<sc_vector_subcore>, window_params = [{transform_indices = #map}, {transform_indices = #map1}]} {
    %mul3A = arith.constant 2 : i32
    %mul3A_0 = arith.muli %arg1, %mul3A : i32
    %add3A = arith.addi %mul3A_0, %arg0 : i32
    %mul3A_1 = arith.constant 64 : i32
    %mul3A_2 = arith.muli %add3A, %mul3A_1 : i32
    "tpu.region"() ({
      %run_scoped3A = tpu.sem_alloc : memref<!tpu.dma_semaphore, #tpu.memory_space<semaphore_mem>>
      %dma_start3A_114 = arith.constant 0 : i32
      %dma_start3A_115 = tpu.memref_slice %arg2[%mul3A_2, %dma_start3A_114] : memref<2048x1024xf32, #tpu.memory_space<hbm>> -> memref<64x1024xf32, #tpu.memory_space<hbm>>
      %dma_start3A_116 = arith.constant 0 : i32
      %dma_start3A_117 = tpu.memref_slice %arg2[%mul3A_2, %dma_start3A_116] : memref<2048x1024xf32, #tpu.memory_space<hbm>> -> memref<64x1024xf32, #tpu.memory_space<hbm>>
      tpu.enqueue_dma source(%dma_start3A_117 : memref<64x1024xf32, #tpu.memory_space<hbm>>) target(%arg4 : memref<64x1024xf32, #tpu.memory_space<vmem>>) target_semaphore(%run_scoped3A : memref<!tpu.dma_semaphore, #tpu.memory_space<semaphore_mem>>)
      %dma_wait3A_118 = arith.constant 0 : i32
      %dma_wait3A_119 = tpu.memref_slice %arg2[%mul3A_2, %dma_wait3A_118] : memref<2048x1024xf32, #tpu.memory_space<hbm>> -> memref<64x1024xf32, #tpu.memory_space<hbm>>
      %dma_wait3A_120 = arith.constant 0 : i32
      %dma_wait3A_121 = tpu.memref_slice %arg2[%mul3A_2, %dma_wait3A_120] : memref<2048x1024xf32, #tpu.memory_space<hbm>> -> memref<64x1024xf32, #tpu.memory_space<hbm>>
      tpu.wait_dma2 semaphore(%run_scoped3A : memref<!tpu.dma_semaphore, #tpu.memory_space<semaphore_mem>>) src(%dma_wait3A_121 : memref<64x1024xf32, #tpu.memory_space<hbm>>) dst(%arg4 : memref<64x1024xf32, #tpu.memory_space<vmem>>)
      tpu.yield
    }) : () -> ()
    %add3A_3 = arith.constant 0 : i32
    %add3A_4 = arith.addi %add3A_3, %add3A : i32
    %jit3A = arith.constant 4 : i32
    %eq3A = arith.constant 0 : i32
    %eq3A_5 = arith.cmpi eq, %jit3A, %eq3A : i32
    %jit3A_6 = arith.constant 1 : i32
    %select_n3A = arith.select %eq3A_5, %jit3A_6, %jit3A : i32
    %rem3A = arith.remsi %add3A_4, %select_n3A : i32
    %ne3A = arith.constant 0 : i32
    %ne3A_7 = arith.cmpi ne, %rem3A, %ne3A : i32
    %lt3A = arith.constant 0 : i32
    %lt3A_8 = arith.cmpi slt, %rem3A, %lt3A : i32
    %lt3A_9 = arith.constant 0 : i32
    %lt3A_10 = arith.cmpi slt, %select_n3A, %lt3A_9 : i32
    %ne3A_11 = arith.xori %lt3A_8, %lt3A_10 : i1
    %and3A = arith.andi %ne3A_11, %ne3A_7 : i1
    %add3A_12 = arith.addi %rem3A, %select_n3A : i32
    %select_n3A_13 = arith.select %and3A, %add3A_12, %rem3A : i32
    %dma_start3A = arith.constant 0 : i32
    %dma_start3A_14 = tpu.memref_slice %arg3[%select_n3A_13, %mul3A_2, %dma_start3A] : memref<4x2048x1024xf32, #tpu.memory_space<hbm>> -> memref<1x64x1024xf32, #tpu.memory_space<hbm>>
    %dma_start3A_15 = tpu.memref_squeeze %dma_start3A_14 : memref<1x64x1024xf32, #tpu.memory_space<hbm>> -> memref<64x1024xf32, #tpu.memory_space<hbm>>
    %dma_start3A_16 = arith.constant 0 : i32
    %dma_start3A_17 = tpu.memref_slice %arg3[%select_n3A_13, %mul3A_2, %dma_start3A_16] : memref<4x2048x1024xf32, #tpu.memory_space<hbm>> -> memref<1x64x1024xf32, #tpu.memory_space<hbm>>
    %dma_start3A_18 = tpu.memref_squeeze %dma_start3A_17 : memref<1x64x1024xf32, #tpu.memory_space<hbm>> -> memref<64x1024xf32, #tpu.memory_space<hbm>>
    tpu.enqueue_dma source(%arg4 : memref<64x1024xf32, #tpu.memory_space<vmem>>) target(%dma_start3A_18 : memref<64x1024xf32, #tpu.memory_space<hbm>>) target_semaphore(%arg5 : memref<!tpu.dma_semaphore, #tpu.memory_space<semaphore_mem>>)
    %add3A_19 = arith.constant 1 : i32
    %add3A_20 = arith.addi %add3A_19, %add3A : i32
    %jit3A_21 = arith.constant 4 : i32
    %eq3A_22 = arith.constant 0 : i32
    %eq3A_23 = arith.cmpi eq, %jit3A_21, %eq3A_22 : i32
    %jit3A_24 = arith.constant 1 : i32
    %select_n3A_25 = arith.select %eq3A_23, %jit3A_24, %jit3A_21 : i32
    %rem3A_26 = arith.remsi %add3A_20, %select_n3A_25 : i32
    %ne3A_27 = arith.constant 0 : i32
    %ne3A_28 = arith.cmpi ne, %rem3A_26, %ne3A_27 : i32
    %lt3A_29 = arith.constant 0 : i32
    %lt3A_30 = arith.cmpi slt, %rem3A_26, %lt3A_29 : i32
    %lt3A_31 = arith.constant 0 : i32
    %lt3A_32 = arith.cmpi slt, %select_n3A_25, %lt3A_31 : i32
    %ne3A_33 = arith.xori %lt3A_30, %lt3A_32 : i1
    %and3A_34 = arith.andi %ne3A_33, %ne3A_28 : i1
    %add3A_35 = arith.addi %rem3A_26, %select_n3A_25 : i32
    %select_n3A_36 = arith.select %and3A_34, %add3A_35, %rem3A_26 : i32
    %dma_start3A_37 = arith.constant 0 : i32
    %dma_start3A_38 = tpu.memref_slice %arg3[%select_n3A_36, %mul3A_2, %dma_start3A_37] : memref<4x2048x1024xf32, #tpu.memory_space<hbm>> -> memref<1x64x1024xf32, #tpu.memory_space<hbm>>
    %dma_start3A_39 = tpu.memref_squeeze %dma_start3A_38 : memref<1x64x1024xf32, #tpu.memory_space<hbm>> -> memref<64x1024xf32, #tpu.memory_space<hbm>>
    %dma_start3A_40 = arith.constant 0 : i32
    %dma_start3A_41 = tpu.memref_slice %arg3[%select_n3A_36, %mul3A_2, %dma_start3A_40] : memref<4x2048x1024xf32, #tpu.memory_space<hbm>> -> memref<1x64x1024xf32, #tpu.memory_space<hbm>>
    %dma_start3A_42 = tpu.memref_squeeze %dma_start3A_41 : memref<1x64x1024xf32, #tpu.memory_space<hbm>> -> memref<64x1024xf32, #tpu.memory_space<hbm>>
    tpu.enqueue_dma source(%arg4 : memref<64x1024xf32, #tpu.memory_space<vmem>>) target(%dma_start3A_42 : memref<64x1024xf32, #tpu.memory_space<hbm>>) target_semaphore(%arg5 : memref<!tpu.dma_semaphore, #tpu.memory_space<semaphore_mem>>)
    %add3A_43 = arith.constant 2 : i32
    %add3A_44 = arith.addi %add3A_43, %add3A : i32
    %jit3A_45 = arith.constant 4 : i32
    %eq3A_46 = arith.constant 0 : i32
    %eq3A_47 = arith.cmpi eq, %jit3A_45, %eq3A_46 : i32
    %jit3A_48 = arith.constant 1 : i32
    %select_n3A_49 = arith.select %eq3A_47, %jit3A_48, %jit3A_45 : i32
    %rem3A_50 = arith.remsi %add3A_44, %select_n3A_49 : i32
    %ne3A_51 = arith.constant 0 : i32
    %ne3A_52 = arith.cmpi ne, %rem3A_50, %ne3A_51 : i32
    %lt3A_53 = arith.constant 0 : i32
    %lt3A_54 = arith.cmpi slt, %rem3A_50, %lt3A_53 : i32
    %lt3A_55 = arith.constant 0 : i32
    %lt3A_56 = arith.cmpi slt, %select_n3A_49, %lt3A_55 : i32
    %ne3A_57 = arith.xori %lt3A_54, %lt3A_56 : i1
    %and3A_58 = arith.andi %ne3A_57, %ne3A_52 : i1
    %add3A_59 = arith.addi %rem3A_50, %select_n3A_49 : i32
    %select_n3A_60 = arith.select %and3A_58, %add3A_59, %rem3A_50 : i32
    %dma_start3A_61 = arith.constant 0 : i32
    %dma_start3A_62 = tpu.memref_slice %arg3[%select_n3A_60, %mul3A_2, %dma_start3A_61] : memref<4x2048x1024xf32, #tpu.memory_space<hbm>> -> memref<1x64x1024xf32, #tpu.memory_space<hbm>>
    %dma_start3A_63 = tpu.memref_squeeze %dma_start3A_62 : memref<1x64x1024xf32, #tpu.memory_space<hbm>> -> memref<64x1024xf32, #tpu.memory_space<hbm>>
    %dma_start3A_64 = arith.constant 0 : i32
    %dma_start3A_65 = tpu.memref_slice %arg3[%select_n3A_60, %mul3A_2, %dma_start3A_64] : memref<4x2048x1024xf32, #tpu.memory_space<hbm>> -> memref<1x64x1024xf32, #tpu.memory_space<hbm>>
    %dma_start3A_66 = tpu.memref_squeeze %dma_start3A_65 : memref<1x64x1024xf32, #tpu.memory_space<hbm>> -> memref<64x1024xf32, #tpu.memory_space<hbm>>
    tpu.enqueue_dma source(%arg4 : memref<64x1024xf32, #tpu.memory_space<vmem>>) target(%dma_start3A_66 : memref<64x1024xf32, #tpu.memory_space<hbm>>) target_semaphore(%arg5 : memref<!tpu.dma_semaphore, #tpu.memory_space<semaphore_mem>>)
    %add3A_67 = arith.constant 3 : i32
    %add3A_68 = arith.addi %add3A_67, %add3A : i32
    %jit3A_69 = arith.constant 4 : i32
    %eq3A_70 = arith.constant 0 : i32
    %eq3A_71 = arith.cmpi eq, %jit3A_69, %eq3A_70 : i32
    %jit3A_72 = arith.constant 1 : i32
    %select_n3A_73 = arith.select %eq3A_71, %jit3A_72, %jit3A_69 : i32
    %rem3A_74 = arith.remsi %add3A_68, %select_n3A_73 : i32
    %ne3A_75 = arith.constant 0 : i32
    %ne3A_76 = arith.cmpi ne, %rem3A_74, %ne3A_75 : i32
    %lt3A_77 = arith.constant 0 : i32
    %lt3A_78 = arith.cmpi slt, %rem3A_74, %lt3A_77 : i32
    %lt3A_79 = arith.constant 0 : i32
    %lt3A_80 = arith.cmpi slt, %select_n3A_73, %lt3A_79 : i32
    %ne3A_81 = arith.xori %lt3A_78, %lt3A_80 : i1
    %and3A_82 = arith.andi %ne3A_81, %ne3A_76 : i1
    %add3A_83 = arith.addi %rem3A_74, %select_n3A_73 : i32
    %select_n3A_84 = arith.select %and3A_82, %add3A_83, %rem3A_74 : i32
    %dma_start3A_85 = arith.constant 0 : i32
    %dma_start3A_86 = tpu.memref_slice %arg3[%select_n3A_84, %mul3A_2, %dma_start3A_85] : memref<4x2048x1024xf32, #tpu.memory_space<hbm>> -> memref<1x64x1024xf32, #tpu.memory_space<hbm>>
    %dma_start3A_87 = tpu.memref_squeeze %dma_start3A_86 : memref<1x64x1024xf32, #tpu.memory_space<hbm>> -> memref<64x1024xf32, #tpu.memory_space<hbm>>
    %dma_start3A_88 = arith.constant 0 : i32
    %dma_start3A_89 = tpu.memref_slice %arg3[%select_n3A_84, %mul3A_2, %dma_start3A_88] : memref<4x2048x1024xf32, #tpu.memory_space<hbm>> -> memref<1x64x1024xf32, #tpu.memory_space<hbm>>
    %dma_start3A_90 = tpu.memref_squeeze %dma_start3A_89 : memref<1x64x1024xf32, #tpu.memory_space<hbm>> -> memref<64x1024xf32, #tpu.memory_space<hbm>>
    tpu.enqueue_dma source(%arg4 : memref<64x1024xf32, #tpu.memory_space<vmem>>) target(%dma_start3A_90 : memref<64x1024xf32, #tpu.memory_space<hbm>>) target_semaphore(%arg5 : memref<!tpu.dma_semaphore, #tpu.memory_space<semaphore_mem>>)
    %dma_wait3A = arith.constant 0 : i32
    %dma_wait3A_91 = tpu.memref_slice %arg3[%select_n3A_13, %mul3A_2, %dma_wait3A] : memref<4x2048x1024xf32, #tpu.memory_space<hbm>> -> memref<1x64x1024xf32, #tpu.memory_space<hbm>>
    %dma_wait3A_92 = tpu.memref_squeeze %dma_wait3A_91 : memref<1x64x1024xf32, #tpu.memory_space<hbm>> -> memref<64x1024xf32, #tpu.memory_space<hbm>>
    %dma_wait3A_93 = arith.constant 0 : i32
    %dma_wait3A_94 = tpu.memref_slice %arg3[%select_n3A_13, %mul3A_2, %dma_wait3A_93] : memref<4x2048x1024xf32, #tpu.memory_space<hbm>> -> memref<1x64x1024xf32, #tpu.memory_space<hbm>>
    %dma_wait3A_95 = tpu.memref_squeeze %dma_wait3A_94 : memref<1x64x1024xf32, #tpu.memory_space<hbm>> -> memref<64x1024xf32, #tpu.memory_space<hbm>>
    tpu.wait_dma2 semaphore(%arg5 : memref<!tpu.dma_semaphore, #tpu.memory_space<semaphore_mem>>) src(%arg4 : memref<64x1024xf32, #tpu.memory_space<vmem>>) dst(%dma_wait3A_95 : memref<64x1024xf32, #tpu.memory_space<hbm>>)
    %dma_wait3A_96 = arith.constant 0 : i32
    %dma_wait3A_97 = tpu.memref_slice %arg3[%select_n3A_36, %mul3A_2, %dma_wait3A_96] : memref<4x2048x1024xf32, #tpu.memory_space<hbm>> -> memref<1x64x1024xf32, #tpu.memory_space<hbm>>
    %dma_wait3A_98 = tpu.memref_squeeze %dma_wait3A_97 : memref<1x64x1024xf32, #tpu.memory_space<hbm>> -> memref<64x1024xf32, #tpu.memory_space<hbm>>
    %dma_wait3A_99 = arith.constant 0 : i32
    %dma_wait3A_100 = tpu.memref_slice %arg3[%select_n3A_36, %mul3A_2, %dma_wait3A_99] : memref<4x2048x1024xf32, #tpu.memory_space<hbm>> -> memref<1x64x1024xf32, #tpu.memory_space<hbm>>
    %dma_wait3A_101 = tpu.memref_squeeze %dma_wait3A_100 : memref<1x64x1024xf32, #tpu.memory_space<hbm>> -> memref<64x1024xf32, #tpu.memory_space<hbm>>
    tpu.wait_dma2 semaphore(%arg5 : memref<!tpu.dma_semaphore, #tpu.memory_space<semaphore_mem>>) src(%arg4 : memref<64x1024xf32, #tpu.memory_space<vmem>>) dst(%dma_wait3A_101 : memref<64x1024xf32, #tpu.memory_space<hbm>>)
    %dma_wait3A_102 = arith.constant 0 : i32
    %dma_wait3A_103 = tpu.memref_slice %arg3[%select_n3A_60, %mul3A_2, %dma_wait3A_102] : memref<4x2048x1024xf32, #tpu.memory_space<hbm>> -> memref<1x64x1024xf32, #tpu.memory_space<hbm>>
    %dma_wait3A_104 = tpu.memref_squeeze %dma_wait3A_103 : memref<1x64x1024xf32, #tpu.memory_space<hbm>> -> memref<64x1024xf32, #tpu.memory_space<hbm>>
    %dma_wait3A_105 = arith.constant 0 : i32
    %dma_wait3A_106 = tpu.memref_slice %arg3[%select_n3A_60, %mul3A_2, %dma_wait3A_105] : memref<4x2048x1024xf32, #tpu.memory_space<hbm>> -> memref<1x64x1024xf32, #tpu.memory_space<hbm>>
    %dma_wait3A_107 = tpu.memref_squeeze %dma_wait3A_106 : memref<1x64x1024xf32, #tpu.memory_space<hbm>> -> memref<64x1024xf32, #tpu.memory_space<hbm>>
    tpu.wait_dma2 semaphore(%arg5 : memref<!tpu.dma_semaphore, #tpu.memory_space<semaphore_mem>>) src(%arg4 : memref<64x1024xf32, #tpu.memory_space<vmem>>) dst(%dma_wait3A_107 : memref<64x1024xf32, #tpu.memory_space<hbm>>)
    %dma_wait3A_108 = arith.constant 0 : i32
    %dma_wait3A_109 = tpu.memref_slice %arg3[%select_n3A_84, %mul3A_2, %dma_wait3A_108] : memref<4x2048x1024xf32, #tpu.memory_space<hbm>> -> memref<1x64x1024xf32, #tpu.memory_space<hbm>>
    %dma_wait3A_110 = tpu.memref_squeeze %dma_wait3A_109 : memref<1x64x1024xf32, #tpu.memory_space<hbm>> -> memref<64x1024xf32, #tpu.memory_space<hbm>>
    %dma_wait3A_111 = arith.constant 0 : i32
    %dma_wait3A_112 = tpu.memref_slice %arg3[%select_n3A_84, %mul3A_2, %dma_wait3A_111] : memref<4x2048x1024xf32, #tpu.memory_space<hbm>> -> memref<1x64x1024xf32, #tpu.memory_space<hbm>>
    %dma_wait3A_113 = tpu.memref_squeeze %dma_wait3A_112 : memref<1x64x1024xf32, #tpu.memory_space<hbm>> -> memref<64x1024xf32, #tpu.memory_space<hbm>>
    tpu.wait_dma2 semaphore(%arg5 : memref<!tpu.dma_semaphore, #tpu.memory_space<semaphore_mem>>) src(%arg4 : memref<64x1024xf32, #tpu.memory_space<vmem>>) dst(%dma_wait3A_113 : memref<64x1024xf32, #tpu.memory_space<hbm>>)
    return
  }
}

</mosaic_0001>

<sc_bundles>
// kernel: kernel.3.cloned.1.call-start
scs
__scs_entry_jumppad:
0x0: {  	(pc) =	sbr.rel $0x88, $3  }
0x1: {  	(tag) =	ssettag $0x0;
	lr =	simm.s32 $0x1  }
0x2: {  	[smem:$0x3FA0] =	sst lr;
	_ =	strace $0xD0000000  }
0x3: {  	_ = 	snop  }
0x4: {  	_ = 	snop  }
0x5: {  	_ = 	snop  }
0x6: {  	_ = 	snop  }
0x7: {  	_ = 	snop  }
__scs_overlays_trampoline_lowered:
0x8: {  	[smem:$0x3FAF] =	sst s0  }
0x9: {  	[smem:$0x3FB0] =	sst s1  }
0xa: {  	[smem:$0x3FB1] =	sst s2  }
0xb: {  	[smem:$0x3FB2] =	sst s3  }
0xc: {  	[smem:$0x3FB3] =	sst s4  }
0xd: {  	[smem:$0x3FB4] =	sst s5  }
0xe: {  	[smem:$0x3FB5] =	sst s6  }
0xf: {  	[smem:$0x3FB6] =	sst s7  }
0x10: {  	[smem:$0x3FB7] =	sst s8  }
0x11: {  	[smem:$0x3FB8] =	sst s9;
	s0 =	simm.s32 @!p0 $0x0  }
0x12: {  	s1 =	sld [smem:$0x3F9E];
	s0 =	simm.s32 @p0 $0x1  }
0x13: {  	[smem:$0x3FB9] =	sst s0;
	s0 =	simm.s32 @!p1 $0x0  }
0x14: {  	s2 =	sld [smem:$0x3F9D];
	s0 =	simm.s32 @p1 $0x1  }
0x15: {  	[smem:$0x3FBA] =	sst s0;
	s0 =	simm.s32 @!p2 $0x0  }
0x16: {  	s3 =	sld [smem:$0x3FDB];
	s0 =	simm.s32 @p2 $0x1  }
0x17: {  	s4 =	simm.s32 $0x1BF5;
	[smem:$0x3FBC] =	sst s0  }
0x18: {  	s0 =	sld [smem:$0x3F9F];
	_ =	swait.ge [sflag:s4], $0x0  }
0x19: {  	s7 =	sld [smem:$0x3FA0]  }
0x1a: {  	s8 =	sadd.s32 $0xFFFFE003, lr  }
0x1b: {  	s9 =	sadd.s32 $0xFFFFFEF7, lr;
	s5 =	simm.s32 $0xFFFFFFFF;
	p2 =	slt.u32 s8, $0xFFFFF086  }
0x1c: {  	p1 =	slt.u32 s9, $0xF7A;
	s5 =	simm.s32 @!p2 $0x0  }
0x1d: {  	s5 =	simm.s32 @p1 $0x1;
	p0 =	seq.s32 s7, s2  }
0x1e: {  	s7 =	smul.u32 @!p0 $0xF7A, s2;
	p2 =	seq.s32 @!p0 s5, $0x0  }
0x1f: {  	s9 =	smul.u32 $0xF7A, s1;
	s8 =	simm.s32 @!p0 $0x1BF5;
	p2 =	por !p2, p0  }
0x20: {  	[sflag:s8] =	ssyncset.s32 @!p0 $0xFFFFF086;
	s6 =	sadd.s32 @!p0 s3, s7;
	s7 =	simm.s32 @!p0 $0x108  }
0x21: {  	s3 =	sadd.s32 s3, s9;
	s6 =	sadd.s32 @!p0 $0x88, s6;
	s7 =	simm.s32 @p2 $0x1082  }
0x22: {  	[simem:s7], [sflag:s8] =	dma.local @!p0 [hbm:s6], $0xF7A  }
0x23: {  	s9 =	sor.u32 $0xD0000000, s2;
	s6 =	simm.s32 $0x108;
	_ =	swait.ge @!p0 [sflag:s8], $0x0  }
0x24: {  	s3 =	sadd.s32 $0x88, s3;
	s6 =	simm.s32 @!p1 $0x1082;
	[sflag:s4] =	ssyncset.s32 $0xFFFFF086  }
0x25: {  	[simem:s6], [sflag:s4] =	dma.local [hbm:s3], $0xF7A  }
0x26: {  	[smem:$0x3FA0] =	sst s1;
	(tag) =	ssettag s2;
	_ =	strace s9  }
0x27: {  	s1 =	sld [smem:$0x3FB0]  }
0x28: {  	s2 =	sld [smem:$0x3FB1]  }
0x29: {  	s4 =	sld [smem:$0x3FB3]  }
0x2a: {  	p0 =	seq.s32 s5, $0x0;
	s5 =	sld [smem:$0x3FB4]  }
0x2b: {  	s6 =	sld [smem:$0x3FB5]  }
0x2c: {  	s7 =	sld [smem:$0x3FB6]  }
0x2d: {  	s3 =	simm.s32 $0x108;
	s8 =	sld [smem:$0x3FB7]  }
0x2e: {  	s3 =	simm.s32 @!p0 $0x1082;
	s9 =	sld [smem:$0x3FB8]  }
0x2f: {  	lr =	sadd.s32 s0, s3;
	s0 =	sld [smem:$0x3FAF]  }
0x30: {  	s3 =	sld [smem:$0x3FB2]  }
0x31: {  	[smem:$0x3FBB] =	sst s10  }
0x32: {  	s10 =	sld [smem:$0x3FB9];
	_ =	sdelay $0x3  }
0x33: {  	p0 =	seq.s32 s10, $0x1;
	s10 =	sld [smem:$0x3FBB];
	_ =	sdelay $0x3  }
0x34: {  	[smem:$0x3FBB] =	sst s10  }
0x35: {  	s10 =	sld [smem:$0x3FBA];
	_ =	sdelay $0x3  }
0x36: {  	p1 =	seq.s32 s10, $0x1;
	s10 =	sld [smem:$0x3FBB];
	_ =	sdelay $0x3  }
0x37: {  	[smem:$0x3FBB] =	sst s10  }
0x38: {  	s10 =	sld [smem:$0x3FBC]  }
0x39: {  	_ = 	snop;
	(pc) =	sbr.ind lr, $3  }
0x3a: {  	_ = 	snop  }
0x3b: {  	_ = 	snop  }
0x3c: {  	p2 =	seq.s32 s10, $0x1;
	s10 =	sld [smem:$0x3FBB]  }
0x3d: {  	_ =	shalt  }
0x3e: {  	_ =	shalt  }
0x3f: {  	_ =	shalt  }
0x40: {  	_ =	shalt  }
0x41: {  	_ =	shalt  }
0x42: {  	_ =	shalt  }
0x43: {  	_ =	shalt  }
0x44: {  	_ =	shalt  }
0x45: {  	_ =	shalt  }
0x46: {  	_ =	shalt  }
0x47: {  	_ =	shalt  }
0x48: {  	_ =	shalt  }
0x49: {  	_ =	shalt  }
0x4a: {  	_ =	shalt  }
0x4b: {  	_ =	shalt  }
0x4c: {  	_ =	shalt  }
0x4d: {  	_ =	shalt  }
0x4e: {  	_ =	shalt  }
0x4f: {  	_ =	shalt  }
0x50: {  	_ =	shalt  }
0x51: {  	_ =	shalt  }
0x52: {  	_ =	shalt  }
0x53: {  	_ =	shalt  }
0x54: {  	_ =	shalt  }
0x55: {  	_ =	shalt  }
0x56: {  	_ =	shalt  }
0x57: {  	_ =	shalt  }
0x58: {  	_ =	shalt  }
0x59: {  	_ =	shalt  }
0x5a: {  	_ =	shalt  }
0x5b: {  	_ =	shalt  }
0x5c: {  	_ =	shalt  }
0x5d: {  	_ =	shalt  }
0x5e: {  	_ =	shalt  }
0x5f: {  	_ =	shalt  }
0x60: {  	_ =	shalt  }
0x61: {  	_ =	shalt  }
0x62: {  	_ =	shalt  }
0x63: {  	_ =	shalt  }
0x64: {  	_ =	shalt  }
0x65: {  	_ =	shalt  }
0x66: {  	_ =	shalt  }
0x67: {  	_ =	shalt  }
0x68: {  	_ =	shalt  }
0x69: {  	_ =	shalt  }
0x6a: {  	_ =	shalt  }
0x6b: {  	_ =	shalt  }
0x6c: {  	_ =	shalt  }
0x6d: {  	_ =	shalt  }
0x6e: {  	_ =	shalt  }
0x6f: {  	_ =	shalt  }
0x70: {  	_ =	shalt  }
0x71: {  	_ =	shalt  }
0x72: {  	_ =	shalt  }
0x73: {  	_ =	shalt  }
0x74: {  	_ =	shalt  }
0x75: {  	_ =	shalt  }
0x76: {  	_ =	shalt  }
0x77: {  	_ =	shalt  }
0x78: {  	_ =	shalt  }
0x79: {  	_ =	shalt  }
0x7a: {  	_ =	shalt  }
0x7b: {  	_ =	shalt  }
0x7c: {  	_ =	shalt  }
0x7d: {  	_ =	shalt  }
0x7e: {  	_ =	shalt  }
0x7f: {  	_ =	shalt  }
0x80: {  	_ =	shalt  }
0x81: {  	_ =	shalt  }
0x82: {  	_ =	shalt  }
0x83: {  	_ =	shalt  }
0x84: {  	_ =	shalt  }
0x85: {  	_ =	shalt  }
0x86: {  	_ =	shalt  }
0x87: {  	_ =	shalt  }
.Lfunc_end0:
.L_simem_size_0:
called_computation_lowered:
.L_overlay_start_0:
0x88: {  	s2 =	sld [smem:$0x3FD9]  }
0x89: {  	s3 =	sld [smem:$0x3FFE];
	_ =	sdelay $0x1  }
0x8a: {  	s1 =	srdreg.scid  }
0x8b: {  	s0 =	sand.u32 $0x1, s1  }
0x8c: {  	s18 =	sshll.u32 s0, $0xA;
	s2 =	sadd.s32 s3, s2  }
0x8d: {  	s2 =	sadd.s32 s2, s18  }
0x8e: {  	[smem:$0x3FC7] =	sst s2  }
0x8f: {  	_ = 	snop  }
0x90: {  	s2 =	sld [smem:$0x3FC9]  }
0x91: {  	s19 =	sld [smem:$0x3FD0];
	(tm) =	ssettm $0x1  }
0x92: {  	s4 =	sld [smem:$0x3FFB];
	_ =	sdelay $0x3  }
0x93: {  	_ =	strace s4  }
0x94: {  	s4 =	sld [smem:$0x3FFC];
	_ =	sdelay $0x3  }
0x95: {  	_ =	strace s4  }
0x96: {  	s4 =	sld [smem:$0x3FFD];
	_ =	sdelay $0x3  }
0x97: {  	_ =	strace s4  }
0x98: {  	_ =	strace $0x8FFFFFFF  }
0x99: {  	s20 =	sld [smem:$0x3FDB];
	_ =	sdelay $0x1  }
0x9a: {  	s5 =	simm.s32 $_scs_section_size  }
0x9b: {  	s6 =	simm.s32 $_size__tile_overlayer_lowered;
	s7 =	simm.s32 $_tile_overlayer_lowered  }
0x9c: {  	s23 =	simm.s32 $0x1BFF;
	s22 =	sshll.u32 s7, $0x1;
	s4 =	sadd.s32 s5, s20  }
0x9d: {  	s8 =	simm.s32 $0x0;
	s21 =	sshll.u32 s6, $0x1;
	s6 =	sadd.s32 s22, s4  }
0x9e: {  	[timem:s8], [sflag:s23] =	dma.local [hbm:s6], s21  }
0x9f: {  	_ =	swait.ge [sflag:s23], s21  }
0xa0: {  	s5 =	ssub.s32 $0x0, s21;
	[sflag:s23] =	ssyncset.done $0x0  }
0xa1: {  	[sflag:s23] =	ssyncadd.s32 s5;
	_ =	sdelay $0x1  }
0xa2: {  	s24 =	simm.s32 $0x1B8B  }
0xa3: {  	_ =	swait.ge [sflag:s24], $0x1  }
0xa4: {  	[sflag:s24] =	ssyncset.done $0x0  }
0xa5: {  	s25 =	simm.s32 $0x1B8E;
	[sflag:s24] =	ssyncadd.s32 $0xFFFFFFFF  }
0xa6: {  	s26 =	simm.s32 $execute0_lowered;
	[smem:$0x3FD2] =	sst s25  }
0xa7: {  	s5 =	sshll.u32 s26, $0x1;
	_ =	strace $0x80000046;
	[dreg:$0x1] =	wrdreg $0xFFFFFFFF  }
0xa8: {  	s28 =	simm.s32 $_size_execute0_lowered;
	s4 =	sadd.s32 s4, s5;
	[dreg:$0x0] =	wrdreg $0x0  }
0xa9: {  	s5 =	sshll.u32 s28, $0x1;
	[dreg:$0x2] =	wrdreg s4  }
0xaa: {  	[dreg:$0x3] =	wrdreg s5  }
0xab: {  	[dreg:$0x4] =	wrdreg $0xC0  }
0xac: {  	_ =	task [dreg:s8], $0x5FFFF  }
0xad: {  	[dreg:$0x1] =	wrdreg $0xFFFFFFFF  }
0xae: {  	[dreg:$0x0] =	wrdreg $0x60  }
0xaf: {  	[dreg:$0x2] =	wrdreg s2  }
0xb0: {  	[dreg:$0x3] =	wrdreg s19  }
0xb1: {  	[dreg:$0x4] =	wrdreg $0x9  }
0xb2: {  	_ =	task.clear_ibuf [dreg:s8], $0x5FFFF;
	_ =	strace $0x90000046  }
0xb3: {  	s29 =	simm.s32 $0x9;
	_ =	strace $0x80000048  }
0xb4: {  	_ =	swait.ge [sflag:s29], $0x1  }
0xb5: {  	[sflag:s29] =	ssyncadd.s32 $0xFFFFFFFF  }
0xb6: {  	_ =	strace $0x90000048  }
0xb7: {  	_ =	sfence  }
0xb8: {  	s30 =	sld [smem:$0x0];
	_ =	sdelay $0x2  }
0xb9: {  	s31 =	sshll.u32 s1, $0xD;
	s1 =	sshrl.u32 s1, $0x2  }
0xba: {  	s3 =	sand.u32 $0x4000, s31;
	s1 =	sadd.s32 s1, s30  }
0xbb: {  	s0 =	sor.u32 s3, s0;
	s1 =	sshll.u32 s1, $0x11  }
0xbc: {  	s0 =	sor.u32 s1, s0  }
0xbd: {  	s0 =	sadd.s32 $0x8F2B, s0  }
0xbe: {  	[sflag:s0] =	ssyncadd.remote.s32 $0x1  }
0xbf: {  	_ =	sfence.sel $0xFFFF  }
0xc0: {  	[dreg:$0x0] =	wrdreg $0xFFFFFFFF;
	(pc) =	sbr.abs _section_cstart, $3  }
0xc1: {  	[dreg:$0x1] =	wrdreg $0xFFFFFFFF  }
0xc2: {  	_ =	task.clear_ibuf [dreg:s8], $0x2FFFF;
	_ =	strace $0x9FFFFFFF  }
0xc3: {  	(tm) =	ssettm $0x7FFFFFFF  }
tec
execute0_lowered:
.L_overlay_start_1:
0x0: {  	(tag) =	ssettag $0x1  }
0x1: {  	s3 =	rddreg [dreg:$0x0];
	s1 =	srdreg.scid  }
0x2: {  	s0 =	stileid.u32;
	s8 =	rddreg [dreg:$0x1];
	s2 =	simm.s32 $0x0  }
0x3: {  	s10 =	sand.u32 $0x1, s1;
	s4 =	sshll.u32 s0, $0x1;
	[smem:$0x7FF] =	sst s2  }
0x4: {  	s1 =	rddreg [dreg:$0x2];
	s4 =	sor.u32 s10, s4;
	_ =	strace $0x80000047  }
0x5: {  	s6 =	sshll.u32 s4, $0x15;
	s7 =	sshll.u32 s4, $0x10;
	s4 =	sshll.u32 s4, $0xD  }
0x6: {  	s5 =	sand.u32 $0x600000, s6;
	s3 =	sadd.s32 s3, s4;
	s11 =	sadd.s32 $0x200000, s6  }
0x7: {  	s4 =	simm.s32 $0x2;
	s6 =	sadd.s32 $0x600000, s6;
	s28 =	sor.u32 s7, s5  }
0x8: {  	[tilespmem:s2], [sflag:$0x2] =	stream.linear.gather [hbm4b:s3+s2], $0x10000, $0x38;
	[tilespmem:$0x10000] =	vst v63  }
0x9: {  	s11 =	sand.u32 $0x600000, s11;
	s12 =	sand.u32 $0x600000, s6;
	_ =	swait.ge [sflag:s4], $0x10000  }
0xa: {  	s9 =	sshrl.u32 s28, $0x3;
	s11 =	sor.u32 s7, s11;
	[sflag:s4] =	ssyncset.done $0x0  }
0xb: {  	s5 =	sadd.s32 s8, s9;
	s11 =	sshrl.u32 s11, $0x3;
	[sflag:s4] =	ssyncadd.s32 $0xFFFF0000  }
0xc: {  	[hbm4b:s5+s2] =	stream.linear.scatter [tilespmem:s2], [sflag:$0x1], $0x10000, $0x38;
	[tilespmem:$0x10000] =	vst v63  }
0xd: {  	s29 =	sor.u32 s7, s12;
	s9 =	sxor.u32 $0x80000, s9;
	s6 =	sadd.s32 s8, s11  }
0xe: {  	[hbm4b:s6+s2] =	stream.linear.scatter [tilespmem:s2], [sflag:$0x1], $0x10000, $0x38;
	[tilespmem:$0x10000] =	vst v63  }
0xf: {  	s30 =	sshrl.u32 s29, $0x3;
	s7 =	sadd.s32 s8, s9  }
0x10: {  	[hbm4b:s7+s2] =	stream.linear.scatter [tilespmem:s2], [sflag:$0x1], $0x10000, $0x38;
	[tilespmem:$0x10000] =	vst v63  }
0x11: {  	s9 =	sadd.s32 s8, s30;
	s8 =	simm.s32 $0x1  }
0x12: {  	[hbm4b:s9+s2] =	stream.linear.scatter [tilespmem:s2], [sflag:$0x1], $0x10000, $0x38;
	[tilespmem:$0x10000] =	vst v63  }
0x13: {  	_ =	swait.ge [sflag:s8], $0x10000  }
0x14: {  	s10 =	ssub.s32 $0x2, s10;
	[sflag:s8] =	ssyncset.done $0x0  }
0x15: {  	s31 =	sshrl.u32 s10, $0x1;
	[sflag:s8] =	ssyncadd.s32 $0xFFFF0000  }
0x16: {  	s10 =	ssub.s32 s10, s31;
	_ =	swait.ge [sflag:s8], $0x10000  }
0x17: {  	s10 =	smax.u32 s10, $0x1;
	[sflag:s8] =	ssyncset.done $0x0  }
0x18: {  	p0 =	sne.s32 s10, $0x1;
	[sflag:s8] =	ssyncadd.s32 $0xFFFF0000  }
.Ltmp0:
0x19: {  	_ =	swait.ge [sflag:s8], $0x10000;
	(pc) =	sbr.rel @!p0 .LBB2_2-.Ltmp0, $4  }
0x1a: {  	[sflag:s8] =	ssyncset.done $0x0  }
0x1b: {  	[sflag:s8] =	ssyncadd.s32 $0xFFFF0000  }
0x1c: {  	_ =	swait.ge [sflag:s8], $0x10000  }
0x1d: {  	s10 =	sadd.s32 $0xFFFFFFFF, s10;
	[sflag:s8] =	ssyncset.done $0x0  }
.LBB2_1:
0x1e: {  	p0 =	sne.s32 s10, $0x1;
	s10 =	sadd.s32 $0xFFFFFFFF, s10;
	[sflag:s8] =	ssyncadd.s32 $0xFFFF0000  }
0x1f: {  	[tilespmem:s2], [sflag:$0x2] =	stream.linear.gather [hbm4b:s3+s2], $0x10000, $0x38;
	[tilespmem:$0x10000] =	vst v63  }
0x20: {  	_ =	swait.ge [sflag:s4], $0x10000  }
0x21: {  	[sflag:s4] =	ssyncset.done $0x0  }
0x22: {  	[sflag:s4] =	ssyncadd.s32 $0xFFFF0000  }
0x23: {  	[hbm4b:s5+s2] =	stream.linear.scatter [tilespmem:s2], [sflag:$0x1], $0x10000, $0x38;
	[tilespmem:$0x10000] =	vst v63  }
0x24: {  	_ = 	snop  }
0x25: {  	[hbm4b:s6+s2] =	stream.linear.scatter [tilespmem:s2], [sflag:$0x1], $0x10000, $0x38;
	[tilespmem:$0x10000] =	vst v63  }
0x26: {  	_ = 	snop  }
0x27: {  	[hbm4b:s7+s2] =	stream.linear.scatter [tilespmem:s2], [sflag:$0x1], $0x10000, $0x38;
	[tilespmem:$0x10000] =	vst v63  }
0x28: {  	_ = 	snop  }
0x29: {  	[hbm4b:s9+s2] =	stream.linear.scatter [tilespmem:s2], [sflag:$0x1], $0x10000, $0x38;
	[tilespmem:$0x10000] =	vst v63  }
0x2a: {  	_ =	swait.ge [sflag:s8], $0x10000  }
0x2b: {  	[sflag:s8] =	ssyncset.done $0x0  }
0x2c: {  	[sflag:s8] =	ssyncadd.s32 $0xFFFF0000  }
0x2d: {  	_ =	swait.ge [sflag:s8], $0x10000  }
0x2e: {  	[sflag:s8] =	ssyncset.done $0x0  }
0x2f: {  	[sflag:s8] =	ssyncadd.s32 $0xFFFF0000  }
.Ltmp1:
0x30: {  	_ =	swait.ge [sflag:s8], $0x10000;
	(pc) =	sbr.rel @p0 .LBB2_1-.Ltmp1, $4  }
0x31: {  	[sflag:s8] =	ssyncset.done $0x0  }
0x32: {  	[sflag:s8] =	ssyncadd.s32 $0xFFFF0000  }
0x33: {  	_ =	swait.ge [sflag:s8], $0x10000  }
0x34: {  	[sflag:s8] =	ssyncset.done $0x0  }
.LBB2_2:
0x35: {  	[sflag:s8] =	ssyncadd.s32 $0xFFFF0000  }
0x36: {  	_ =	sfence.sel $0x180000  }
0x37: {  	[bflag:$0x0] =	sbarrier.arrive $0xFFFF  }
0x38: {  	p0 =	sne.s32 s0, $0x0;
	_ =	strace $0x90000047  }
0x39: {  	s0 =	sadd.s32 @!p0 $0x100000, s1;
	[bflag:$0x2] =	sbarrier.arrive $0xFFFF  }
0x3a: {  	[sflag:s0] =	ssyncadd.tile.s32 @!p0 $0x1;
	_ =	shalt  }
.Lfunc_end2:
_tile_overlayer_lowered:
.L_overlay_start_2:
0x3b: {  	(tag) =	ssettag $0x2  }
0x3c: {  	s0 =	rddreg [dreg:$0x0];
	s2 =	stileid.u32  }
0x3d: {  	s1 =	rddreg [dreg:$0x1];
	p0 =	sne.s32 s2, $0x0  }
0x3e: {  	s3 =	rddreg [dreg:$0x2];
	[bflag:$0x3] =	sbarrier.arrive $0xFFFF;
	s2 =	simm.s32 @!p0 $0x1C02  }
0x3f: {  	[timem:s3], [sflag:s2] =	dma.local @!p0 [hbm:s0], s1  }
0x40: {  	s0 =	simm.s32 @!p0 $0x2  }
0x41: {  	_ =	swait.ge @!p0 [sflag:s0], s1  }
0x42: {  	s1 =	ssub.s32 @!p0 $0x0, s1;
	[sflag:s0] =	ssyncset.done @!p0 $0x0  }
0x43: {  	[sflag:s0] =	ssyncadd.s32 @!p0 s1  }
0x44: {  	[bflag:$0x3] =	sbarrier.arrive $0xFFFF  }
0x45: {  	_ =	shalt  }

</sc_bundles>
